<compile_context>
chip_gen: v7x
topology: tpu7x:2x2x1
jax: 0.10.2.dev20260603
libtpu: 0.0.44.dev20260713+nightly
codegen_flags: <defaults>
</compile_context>

<pallas_src>
import functools

import jax
import jax.numpy as jnp
from jax import lax
from jax.experimental import pallas as pl
from jax.experimental.pallas import tpu as pltpu
from jax.experimental.pallas import tpu_sc as plsc

_D = 128
_N = 1024 * 200
_NW = 32
_PER_W = _N // _NW
_CHUNK = 200
_PAIR = 2 * _CHUNK
_NCHUNK = _PER_W // _CHUNK
_NLAP = _NCHUNK // 4

_mesh = plsc.VectorSubcoreMesh(core_axis_name="c", subcore_axis_name="s")


@functools.partial(
    pl.kernel,
    mesh=_mesh,
    out_type=jax.ShapeDtypeStruct((_N, _D), jnp.float32),
    scratch_types=[
        pltpu.VMEM((_PER_W,), jnp.int32),
        pltpu.VMEM((2, _PAIR, _D), jnp.float32),
        pltpu.SemaphoreType.DMA((2, 2)),
        pltpu.SemaphoreType.DMA((2,)),
    ],
)
def _emb_gather(idx_hbm, tab_hbm, out_hbm, idx_v, bufs, gsem, wsem):
    wid = lax.axis_index("s") * 2 + lax.axis_index("c")
    base = wid * _PER_W
    pltpu.sync_copy(idx_hbm.at[pl.ds(base, _PER_W)], idx_v)

    def _gather(off, p, h):
        pltpu.async_copy(tab_hbm.at[idx_v.at[pl.ds(off, _CHUNK)]],
                         bufs.at[p, pl.ds(h * _CHUNK, _CHUNK)], gsem.at[p, h])

    def _wait_gather(p, h):
        pltpu.make_async_copy(tab_hbm.at[idx_v.at[pl.ds(0, _CHUNK)]],
                              bufs.at[p, pl.ds(h * _CHUNK, _CHUNK)],
                              gsem.at[p, h]).wait()

    def _put(off, p):
        pltpu.async_copy(bufs.at[p], out_hbm.at[pl.ds(base + off, _PAIR)],
                         wsem.at[p])

    def _wait_put(p):
        pltpu.make_async_copy(bufs.at[p], out_hbm.at[pl.ds(base, _PAIR)],
                              wsem.at[p]).wait()

    _gather(0 * _CHUNK, 0, 0)
    _gather(1 * _CHUNK, 0, 1)
    _gather(2 * _CHUNK, 1, 0)
    _gather(3 * _CHUNK, 1, 1)
    _wait_gather(0, 0)
    _wait_gather(0, 1)
    _put(0, 0)

    def lap(j, carry):
        a = j * 4 * _CHUNK
        _wait_put(0)
        _gather(a, 0, 0)
        _gather(a + _CHUNK, 0, 1)
        _wait_gather(1, 0)
        _wait_gather(1, 1)
        _put(a - _PAIR, 1)
        _wait_put(1)
        _gather(a + 2 * _CHUNK, 1, 0)
        _gather(a + 3 * _CHUNK, 1, 1)
        _wait_gather(0, 0)
        _wait_gather(0, 1)
        _put(a, 0)
        return carry

    lax.fori_loop(1, _NLAP, lap, 0)

    last = (_NLAP - 1) * 4 * _CHUNK
    _wait_gather(1, 0)
    _wait_gather(1, 1)
    _put(last + _PAIR, 1)
    _wait_put(0)
    _wait_put(1)


def kernel(indices, weight):
    flat = indices.reshape(-1)
    out = _emb_gather(flat, weight)
    return out.reshape(indices.shape + (weight.shape[-1],))

# --- scband reference (transcript-rebuilt; emitter-appended) ---
"""Pipeline reference for scband-word-helper-16741782520548 (READ-ONLY COPY).

The authoritative reference and input builder live on the scoring server;
editing this copy changes nothing except your own understanding.
"""

import jax, jax.numpy as jnp
import numpy as np

VOC_SIZE = 100000
EMBED_DIM = 128
BATCH = 1024
SEQ = 200
PAD_IDX = 0


def setup_inputs(seed: int = 0) -> dict:
    key = jax.random.key(seed)
    k_idx, k_w = jax.random.split(key)
    indices = jax.random.randint(k_idx, (BATCH, SEQ), 0, VOC_SIZE, dtype=jnp.int32)
    # Embedding table; nn.Embedding initializes N(0,1), padding_idx row is zeroed.
    weight = jax.random.normal(k_w, (VOC_SIZE, EMBED_DIM), dtype=jnp.float32)
    weight = weight.at[PAD_IDX].set(0.0)
    return {"indices": indices, "weight": weight}


def reference(indices, weight):
    # WordHelper.embed (elmo=0 path): embedded = self.word_embedding_matrix(indices)
    # Input: (*,) -> Output: (*, embed_size)
    embedded = jnp.take(weight, indices, axis=0)
    return embedded

if __name__ == "__main__":
    import jax
    _d = setup_inputs()
    print(jax.jit(kernel)(*tuple(_d.values())))

</pallas_src>

<mosaic_0001>
#map = affine_map<(d0, d1) -> (0)>
#map1 = affine_map<(d0, d1) -> (0, 0)>
module attributes {stable_mosaic.version = 14 : i64} {
  func.func @_emb_gather(%arg0: i32, %arg1: i32, %arg2: memref<204800xi32, #tpu.memory_space<hbm>>, %arg3: memref<100000x128xf32, #tpu.memory_space<hbm>>, %arg4: memref<204800x128xf32, #tpu.memory_space<hbm>>, %arg5: memref<6400xi32, #tpu.memory_space<vmem>>, %arg6: memref<2x400x128xf32, #tpu.memory_space<vmem>>, %arg7: memref<2x2x!tpu.dma_semaphore, #tpu.memory_space<semaphore_mem>>, %arg8: memref<2x!tpu.dma_semaphore, #tpu.memory_space<semaphore_mem>>) attributes {dimension_semantics = [#tpu.dimension_semantics<core_parallel>, #tpu.dimension_semantics<subcore_parallel>], iteration_bounds = array<i64: 2, 16>, scalar_prefetch = 0 : i64, scratch_operands = 4 : i64, tpu.core_type = #tpu.core_type<sc_vector_subcore>, window_params = [{transform_indices = #map}, {transform_indices = #map1}, {transform_indices = #map1}]} {
    %mul3A = arith.constant 2 : i32
    %mul3A_0 = arith.muli %arg1, %mul3A : i32
    %add3A = arith.addi %mul3A_0, %arg0 : i32
    %mul3A_1 = arith.constant 6400 : i32
    %mul3A_2 = arith.muli %add3A, %mul3A_1 : i32
    "tpu.region"() ({
      %run_scoped3A = tpu.sem_alloc : memref<!tpu.dma_semaphore, #tpu.memory_space<semaphore_mem>>
      %dma_start3A_186 = tpu.memref_slice %arg2[%mul3A_2] : memref<204800xi32, #tpu.memory_space<hbm>> -> memref<6400xi32, #tpu.memory_space<hbm>>
      %dma_start3A_187 = tpu.memref_slice %arg2[%mul3A_2] : memref<204800xi32, #tpu.memory_space<hbm>> -> memref<6400xi32, #tpu.memory_space<hbm>>
      tpu.enqueue_dma source(%dma_start3A_187 : memref<6400xi32, #tpu.memory_space<hbm>>) target(%arg5 : memref<6400xi32, #tpu.memory_space<vmem>>) target_semaphore(%run_scoped3A : memref<!tpu.dma_semaphore, #tpu.memory_space<semaphore_mem>>)
      %dma_wait3A_188 = tpu.memref_slice %arg2[%mul3A_2] : memref<204800xi32, #tpu.memory_space<hbm>> -> memref<6400xi32, #tpu.memory_space<hbm>>
      %dma_wait3A_189 = tpu.memref_slice %arg2[%mul3A_2] : memref<204800xi32, #tpu.memory_space<hbm>> -> memref<6400xi32, #tpu.memory_space<hbm>>
      tpu.wait_dma2 semaphore(%run_scoped3A : memref<!tpu.dma_semaphore, #tpu.memory_space<semaphore_mem>>) src(%dma_wait3A_189 : memref<6400xi32, #tpu.memory_space<hbm>>) dst(%arg5 : memref<6400xi32, #tpu.memory_space<vmem>>)
      tpu.yield
    }) : () -> ()
    %dma_start3A = arith.constant 0 : i32
    %dma_start3A_3 = arith.constant 0 : i32
    %dma_start3A_4 = arith.constant 0 : i32
    %dma_start3A_5 = arith.constant 0 : i32
    %dma_start3A_6 = arith.constant 0 : i32
    %dma_start3A_7 = tpu.memref_slice %arg6[%dma_start3A, %dma_start3A_5, %dma_start3A_6] : memref<2x400x128xf32, #tpu.memory_space<vmem>> -> memref<1x200x128xf32, #tpu.memory_space<vmem>>
    %dma_start3A_8 = tpu.memref_squeeze %dma_start3A_7 : memref<1x200x128xf32, #tpu.memory_space<vmem>> -> memref<200x128xf32, #tpu.memory_space<vmem>>
    %dma_start3A_9 = arith.constant 0 : i32
    %dma_start3A_10 = tpu.memref_slice %arg5[%dma_start3A_9] : memref<6400xi32, #tpu.memory_space<vmem>> -> memref<200xi32, #tpu.memory_space<vmem>>
    %dma_start3A_11 = arith.constant 0 : i32
    %dma_start3A_12 = arith.constant 0 : i32
    %dma_start3A_13 = tpu.memref_slice %arg3[%dma_start3A_11, %dma_start3A_12] : memref<100000x128xf32, #tpu.memory_space<hbm>> -> memref<100000x128xf32, #tpu.memory_space<hbm>>
    %dma_start3A_14 = tpu.memref_slice %arg7[%dma_start3A_3, %dma_start3A_4] : memref<2x2x!tpu.dma_semaphore, #tpu.memory_space<semaphore_mem>> -> memref<1x1x!tpu.dma_semaphore, #tpu.memory_space<semaphore_mem>>
    %dma_start3A_15 = tpu.memref_squeeze %dma_start3A_14 : memref<1x1x!tpu.dma_semaphore, #tpu.memory_space<semaphore_mem>> -> memref<!tpu.dma_semaphore, #tpu.memory_space<semaphore_mem>>
    tpu.enqueue_indirect_dma source(%dma_start3A_13 : memref<100000x128xf32, #tpu.memory_space<hbm>>) target(%dma_start3A_8 : memref<200x128xf32, #tpu.memory_space<vmem>>) offsets(%dma_start3A_10 : memref<200xi32, #tpu.memory_space<vmem>>) semaphore(%dma_start3A_15 : memref<!tpu.dma_semaphore, #tpu.memory_space<semaphore_mem>>)
    %dma_start3A_16 = arith.constant 0 : i32
    %dma_start3A_17 = arith.constant 0 : i32
    %dma_start3A_18 = arith.constant 1 : i32
    %dma_start3A_19 = arith.constant 200 : i32
    %dma_start3A_20 = arith.constant 0 : i32
    %dma_start3A_21 = tpu.memref_slice %arg6[%dma_start3A_16, %dma_start3A_19, %dma_start3A_20] : memref<2x400x128xf32, #tpu.memory_space<vmem>> -> memref<1x200x128xf32, #tpu.memory_space<vmem>>
    %dma_start3A_22 = tpu.memref_squeeze %dma_start3A_21 : memref<1x200x128xf32, #tpu.memory_space<vmem>> -> memref<200x128xf32, #tpu.memory_space<vmem>>
    %dma_start3A_23 = arith.constant 200 : i32
    %dma_start3A_24 = tpu.memref_slice %arg5[%dma_start3A_23] : memref<6400xi32, #tpu.memory_space<vmem>> -> memref<200xi32, #tpu.memory_space<vmem>>
    %dma_start3A_25 = arith.constant 0 : i32
    %dma_start3A_26 = arith.constant 0 : i32
    %dma_start3A_27 = tpu.memref_slice %arg3[%dma_start3A_25, %dma_start3A_26] : memref<100000x128xf32, #tpu.memory_space<hbm>> -> memref<100000x128xf32, #tpu.memory_space<hbm>>
    %dma_start3A_28 = tpu.memref_slice %arg7[%dma_start3A_17, %dma_start3A_18] : memref<2x2x!tpu.dma_semaphore, #tpu.memory_space<semaphore_mem>> -> memref<1x1x!tpu.dma_semaphore, #tpu.memory_space<semaphore_mem>>
    %dma_start3A_29 = tpu.memref_squeeze %dma_start3A_28 : memref<1x1x!tpu.dma_semaphore, #tpu.memory_space<semaphore_mem>> -> memref<!tpu.dma_semaphore, #tpu.memory_space<semaphore_mem>>
    tpu.enqueue_indirect_dma source(%dma_start3A_27 : memref<100000x128xf32, #tpu.memory_space<hbm>>) target(%dma_start3A_22 : memref<200x128xf32, #tpu.memory_space<vmem>>) offsets(%dma_start3A_24 : memref<200xi32, #tpu.memory_space<vmem>>) semaphore(%dma_start3A_29 : memref<!tpu.dma_semaphore, #tpu.memory_space<semaphore_mem>>)
    %dma_start3A_30 = arith.constant 1 : i32
    %dma_start3A_31 = arith.constant 1 : i32
    %dma_start3A_32 = arith.constant 0 : i32
    %dma_start3A_33 = arith.constant 0 : i32
    %dma_start3A_34 = arith.constant 0 : i32
    %dma_start3A_35 = tpu.memref_slice %arg6[%dma_start3A_30, %dma_start3A_33, %dma_start3A_34] : memref<2x400x128xf32, #tpu.memory_space<vmem>> -> memref<1x200x128xf32, #tpu.memory_space<vmem>>
    %dma_start3A_36 = tpu.memref_squeeze %dma_start3A_35 : memref<1x200x128xf32, #tpu.memory_space<vmem>> -> memref<200x128xf32, #tpu.memory_space<vmem>>
    %dma_start3A_37 = arith.constant 400 : i32
    %dma_start3A_38 = tpu.memref_slice %arg5[%dma_start3A_37] : memref<6400xi32, #tpu.memory_space<vmem>> -> memref<200xi32, #tpu.memory_space<vmem>>
    %dma_start3A_39 = arith.constant 0 : i32
    %dma_start3A_40 = arith.constant 0 : i32
    %dma_start3A_41 = tpu.memref_slice %arg3[%dma_start3A_39, %dma_start3A_40] : memref<100000x128xf32, #tpu.memory_space<hbm>> -> memref<100000x128xf32, #tpu.memory_space<hbm>>
    %dma_start3A_42 = tpu.memref_slice %arg7[%dma_start3A_31, %dma_start3A_32] : memref<2x2x!tpu.dma_semaphore, #tpu.memory_space<semaphore_mem>> -> memref<1x1x!tpu.dma_semaphore, #tpu.memory_space<semaphore_mem>>
    %dma_start3A_43 = tpu.memref_squeeze %dma_start3A_42 : memref<1x1x!tpu.dma_semaphore, #tpu.memory_space<semaphore_mem>> -> memref<!tpu.dma_semaphore, #tpu.memory_space<semaphore_mem>>
    tpu.enqueue_indirect_dma source(%dma_start3A_41 : memref<100000x128xf32, #tpu.memory_space<hbm>>) target(%dma_start3A_36 : memref<200x128xf32, #tpu.memory_space<vmem>>) offsets(%dma_start3A_38 : memref<200xi32, #tpu.memory_space<vmem>>) semaphore(%dma_start3A_43 : memref<!tpu.dma_semaphore, #tpu.memory_space<semaphore_mem>>)
    %dma_start3A_44 = arith.constant 1 : i32
    %dma_start3A_45 = arith.constant 1 : i32
    %dma_start3A_46 = arith.constant 1 : i32
    %dma_start3A_47 = arith.constant 200 : i32
    %dma_start3A_48 = arith.constant 0 : i32
    %dma_start3A_49 = tpu.memref_slice %arg6[%dma_start3A_44, %dma_start3A_47, %dma_start3A_48] : memref<2x400x128xf32, #tpu.memory_space<vmem>> -> memref<1x200x128xf32, #tpu.memory_space<vmem>>
    %dma_start3A_50 = tpu.memref_squeeze %dma_start3A_49 : memref<1x200x128xf32, #tpu.memory_space<vmem>> -> memref<200x128xf32, #tpu.memory_space<vmem>>
    %dma_start3A_51 = arith.constant 600 : i32
    %dma_start3A_52 = tpu.memref_slice %arg5[%dma_start3A_51] : memref<6400xi32, #tpu.memory_space<vmem>> -> memref<200xi32, #tpu.memory_space<vmem>>
    %dma_start3A_53 = arith.constant 0 : i32
    %dma_start3A_54 = arith.constant 0 : i32
    %dma_start3A_55 = tpu.memref_slice %arg3[%dma_start3A_53, %dma_start3A_54] : memref<100000x128xf32, #tpu.memory_space<hbm>> -> memref<100000x128xf32, #tpu.memory_space<hbm>>
    %dma_start3A_56 = tpu.memref_slice %arg7[%dma_start3A_45, %dma_start3A_46] : memref<2x2x!tpu.dma_semaphore, #tpu.memory_space<semaphore_mem>> -> memref<1x1x!tpu.dma_semaphore, #tpu.memory_space<semaphore_mem>>
    %dma_start3A_57 = tpu.memref_squeeze %dma_start3A_56 : memref<1x1x!tpu.dma_semaphore, #tpu.memory_space<semaphore_mem>> -> memref<!tpu.dma_semaphore, #tpu.memory_space<semaphore_mem>>
    tpu.enqueue_indirect_dma source(%dma_start3A_55 : memref<100000x128xf32, #tpu.memory_space<hbm>>) target(%dma_start3A_50 : memref<200x128xf32, #tpu.memory_space<vmem>>) offsets(%dma_start3A_52 : memref<200xi32, #tpu.memory_space<vmem>>) semaphore(%dma_start3A_57 : memref<!tpu.dma_semaphore, #tpu.memory_space<semaphore_mem>>)
    %dma_wait3A = arith.constant 0 : i32
    %dma_wait3A_58 = arith.constant 0 : i32
    %dma_wait3A_59 = arith.constant 0 : i32
    %dma_wait3A_60 = arith.constant 0 : i32
    %dma_wait3A_61 = arith.constant 0 : i32
    %dma_wait3A_62 = tpu.memref_slice %arg6[%dma_wait3A, %dma_wait3A_60, %dma_wait3A_61] : memref<2x400x128xf32, #tpu.memory_space<vmem>> -> memref<1x200x128xf32, #tpu.memory_space<vmem>>
    %dma_wait3A_63 = tpu.memref_squeeze %dma_wait3A_62 : memref<1x200x128xf32, #tpu.memory_space<vmem>> -> memref<200x128xf32, #tpu.memory_space<vmem>>
    %dma_wait3A_64 = arith.constant 0 : i32
    %dma_wait3A_65 = tpu.memref_slice %arg5[%dma_wait3A_64] : memref<6400xi32, #tpu.memory_space<vmem>> -> memref<200xi32, #tpu.memory_space<vmem>>
    %dma_wait3A_66 = arith.constant 0 : i32
    %dma_wait3A_67 = arith.constant 0 : i32
    %dma_wait3A_68 = tpu.memref_slice %arg3[%dma_wait3A_66, %dma_wait3A_67] : memref<100000x128xf32, #tpu.memory_space<hbm>> -> memref<100000x128xf32, #tpu.memory_space<hbm>>
    %dma_wait3A_69 = tpu.memref_slice %arg7[%dma_wait3A_58, %dma_wait3A_59] : memref<2x2x!tpu.dma_semaphore, #tpu.memory_space<semaphore_mem>> -> memref<1x1x!tpu.dma_semaphore, #tpu.memory_space<semaphore_mem>>
    %dma_wait3A_70 = tpu.memref_squeeze %dma_wait3A_69 : memref<1x1x!tpu.dma_semaphore, #tpu.memory_space<semaphore_mem>> -> memref<!tpu.dma_semaphore, #tpu.memory_space<semaphore_mem>>
    tpu.wait_indirect_dma semaphore(%dma_wait3A_70 : memref<!tpu.dma_semaphore, #tpu.memory_space<semaphore_mem>>) src(%dma_wait3A_68 : memref<100000x128xf32, #tpu.memory_space<hbm>>) dst(%dma_wait3A_63 : memref<200x128xf32, #tpu.memory_space<vmem>>)
    %dma_wait3A_71 = arith.constant 0 : i32
    %dma_wait3A_72 = arith.constant 0 : i32
    %dma_wait3A_73 = arith.constant 1 : i32
    %dma_wait3A_74 = arith.constant 200 : i32
    %dma_wait3A_75 = arith.constant 0 : i32
    %dma_wait3A_76 = tpu.memref_slice %arg6[%dma_wait3A_71, %dma_wait3A_74, %dma_wait3A_75] : memref<2x400x128xf32, #tpu.memory_space<vmem>> -> memref<1x200x128xf32, #tpu.memory_space<vmem>>
    %dma_wait3A_77 = tpu.memref_squeeze %dma_wait3A_76 : memref<1x200x128xf32, #tpu.memory_space<vmem>> -> memref<200x128xf32, #tpu.memory_space<vmem>>
    %dma_wait3A_78 = arith.constant 0 : i32
    %dma_wait3A_79 = tpu.memref_slice %arg5[%dma_wait3A_78] : memref<6400xi32, #tpu.memory_space<vmem>> -> memref<200xi32, #tpu.memory_space<vmem>>
    %dma_wait3A_80 = arith.constant 0 : i32
    %dma_wait3A_81 = arith.constant 0 : i32
    %dma_wait3A_82 = tpu.memref_slice %arg3[%dma_wait3A_80, %dma_wait3A_81] : memref<100000x128xf32, #tpu.memory_space<hbm>> -> memref<100000x128xf32, #tpu.memory_space<hbm>>
    %dma_wait3A_83 = tpu.memref_slice %arg7[%dma_wait3A_72, %dma_wait3A_73] : memref<2x2x!tpu.dma_semaphore, #tpu.memory_space<semaphore_mem>> -> memref<1x1x!tpu.dma_semaphore, #tpu.memory_space<semaphore_mem>>
    %dma_wait3A_84 = tpu.memref_squeeze %dma_wait3A_83 : memref<1x1x!tpu.dma_semaphore, #tpu.memory_space<semaphore_mem>> -> memref<!tpu.dma_semaphore, #tpu.memory_space<semaphore_mem>>
    tpu.wait_indirect_dma semaphore(%dma_wait3A_84 : memref<!tpu.dma_semaphore, #tpu.memory_space<semaphore_mem>>) src(%dma_wait3A_82 : memref<100000x128xf32, #tpu.memory_space<hbm>>) dst(%dma_wait3A_77 : memref<200x128xf32, #tpu.memory_space<vmem>>)
    %add3A_85 = arith.constant 0 : i32
    %add3A_86 = arith.addi %mul3A_2, %add3A_85 : i32
    %dma_start3A_87 = arith.constant 0 : i32
    %dma_start3A_88 = arith.constant 0 : i32
    %dma_start3A_89 = arith.constant 0 : i32
    %dma_start3A_90 = arith.constant 0 : i32
    %dma_start3A_91 = tpu.memref_slice %arg6[%dma_start3A_87, %dma_start3A_89, %dma_start3A_90] : memref<2x400x128xf32, #tpu.memory_space<vmem>> -> memref<1x400x128xf32, #tpu.memory_space<vmem>>
    %dma_start3A_92 = tpu.memref_squeeze %dma_start3A_91 : memref<1x400x128xf32, #tpu.memory_space<vmem>> -> memref<400x128xf32, #tpu.memory_space<vmem>>
    %dma_start3A_93 = arith.constant 0 : i32
    %dma_start3A_94 = tpu.memref_slice %arg4[%add3A_86, %dma_start3A_93] : memref<204800x128xf32, #tpu.memory_space<hbm>> -> memref<400x128xf32, #tpu.memory_space<hbm>>
    %dma_start3A_95 = tpu.memref_slice %arg8[%dma_start3A_88] : memref<2x!tpu.dma_semaphore, #tpu.memory_space<semaphore_mem>> -> memref<1x!tpu.dma_semaphore, #tpu.memory_space<semaphore_mem>>
    %dma_start3A_96 = tpu.memref_squeeze %dma_start3A_95 : memref<1x!tpu.dma_semaphore, #tpu.memory_space<semaphore_mem>> -> memref<!tpu.dma_semaphore, #tpu.memory_space<semaphore_mem>>
    %dma_start3A_97 = arith.constant 0 : i32
    %dma_start3A_98 = tpu.memref_slice %arg4[%add3A_86, %dma_start3A_97] : memref<204800x128xf32, #tpu.memory_space<hbm>> -> memref<400x128xf32, #tpu.memory_space<hbm>>
    %dma_start3A_99 = arith.constant 0 : i32
    %dma_start3A_100 = arith.constant 0 : i32
    %dma_start3A_101 = tpu.memref_slice %arg6[%dma_start3A_87, %dma_start3A_99, %dma_start3A_100] : memref<2x400x128xf32, #tpu.memory_space<vmem>> -> memref<1x400x128xf32, #tpu.memory_space<vmem>>
    %dma_start3A_102 = tpu.memref_squeeze %dma_start3A_101 : memref<1x400x128xf32, #tpu.memory_space<vmem>> -> memref<400x128xf32, #tpu.memory_space<vmem>>
    tpu.enqueue_dma source(%dma_start3A_102 : memref<400x128xf32, #tpu.memory_space<vmem>>) target(%dma_start3A_98 : memref<400x128xf32, #tpu.memory_space<hbm>>) target_semaphore(%dma_start3A_96 : memref<!tpu.dma_semaphore, #tpu.memory_space<semaphore_mem>>)
    %scan3A = arith.constant 0 : i32
    %scan3A_103 = arith.constant 1 : i32
    %scan3A_104 = arith.constant 7 : i32
    %scan3A_105 = arith.addi %scan3A_103, %scan3A_104 : i32
    %scan3A_106 = arith.constant 1 : i32
    scf.for %scan3A_186 = %scan3A_103 to %scan3A_105 step %scan3A_106  : i32 {
      %mul3A_187 = arith.constant 4 : i32
      %mul3A_188 = arith.muli %scan3A_186, %mul3A_187 : i32
      %mul3A_189 = arith.constant 200 : i32
      %mul3A_190 = arith.muli %mul3A_188, %mul3A_189 : i32
      %dma_wait3A_191 = arith.constant 0 : i32
      %dma_wait3A_192 = arith.constant 0 : i32
      %dma_wait3A_193 = arith.constant 0 : i32
      %dma_wait3A_194 = arith.constant 0 : i32
      %dma_wait3A_195 = tpu.memref_slice %arg6[%dma_wait3A_191, %dma_wait3A_193, %dma_wait3A_194] : memref<2x400x128xf32, #tpu.memory_space<vmem>> -> memref<1x400x128xf32, #tpu.memory_space<vmem>>
      %dma_wait3A_196 = tpu.memref_squeeze %dma_wait3A_195 : memref<1x400x128xf32, #tpu.memory_space<vmem>> -> memref<400x128xf32, #tpu.memory_space<vmem>>
      %dma_wait3A_197 = arith.constant 0 : i32
      %dma_wait3A_198 = tpu.memref_slice %arg4[%mul3A_2, %dma_wait3A_197] : memref<204800x128xf32, #tpu.memory_space<hbm>> -> memref<400x128xf32, #tpu.memory_space<hbm>>
      %dma_wait3A_199 = tpu.memref_slice %arg8[%dma_wait3A_192] : memref<2x!tpu.dma_semaphore, #tpu.memory_space<semaphore_mem>> -> memref<1x!tpu.dma_semaphore, #tpu.memory_space<semaphore_mem>>
      %dma_wait3A_200 = tpu.memref_squeeze %dma_wait3A_199 : memref<1x!tpu.dma_semaphore, #tpu.memory_space<semaphore_mem>> -> memref<!tpu.dma_semaphore, #tpu.memory_space<semaphore_mem>>
      %dma_wait3A_201 = arith.constant 0 : i32
      %dma_wait3A_202 = tpu.memref_slice %arg4[%mul3A_2, %dma_wait3A_201] : memref<204800x128xf32, #tpu.memory_space<hbm>> -> memref<400x128xf32, #tpu.memory_space<hbm>>
      %dma_wait3A_203 = arith.constant 0 : i32
      %dma_wait3A_204 = arith.constant 0 : i32
      %dma_wait3A_205 = tpu.memref_slice %arg6[%dma_wait3A_191, %dma_wait3A_203, %dma_wait3A_204] : memref<2x400x128xf32, #tpu.memory_space<vmem>> -> memref<1x400x128xf32, #tpu.memory_space<vmem>>
      %dma_wait3A_206 = tpu.memref_squeeze %dma_wait3A_205 : memref<1x400x128xf32, #tpu.memory_space<vmem>> -> memref<400x128xf32, #tpu.memory_space<vmem>>
      tpu.wait_dma2 semaphore(%dma_wait3A_200 : memref<!tpu.dma_semaphore, #tpu.memory_space<semaphore_mem>>) src(%dma_wait3A_206 : memref<400x128xf32, #tpu.memory_space<vmem>>) dst(%dma_wait3A_202 : memref<400x128xf32, #tpu.memory_space<hbm>>)
      %dma_start3A_207 = arith.constant 0 : i32
      %dma_start3A_208 = arith.constant 0 : i32
      %dma_start3A_209 = arith.constant 0 : i32
      %dma_start3A_210 = arith.constant 0 : i32
      %dma_start3A_211 = arith.constant 0 : i32
      %dma_start3A_212 = tpu.memref_slice %arg6[%dma_start3A_207, %dma_start3A_210, %dma_start3A_211] : memref<2x400x128xf32, #tpu.memory_space<vmem>> -> memref<1x200x128xf32, #tpu.memory_space<vmem>>
      %dma_start3A_213 = tpu.memref_squeeze %dma_start3A_212 : memref<1x200x128xf32, #tpu.memory_space<vmem>> -> memref<200x128xf32, #tpu.memory_space<vmem>>
      %dma_start3A_214 = tpu.memref_slice %arg5[%mul3A_190] : memref<6400xi32, #tpu.memory_space<vmem>> -> memref<200xi32, #tpu.memory_space<vmem>>
      %dma_start3A_215 = arith.constant 0 : i32
      %dma_start3A_216 = arith.constant 0 : i32
      %dma_start3A_217 = tpu.memref_slice %arg3[%dma_start3A_215, %dma_start3A_216] : memref<100000x128xf32, #tpu.memory_space<hbm>> -> memref<100000x128xf32, #tpu.memory_space<hbm>>
      %dma_start3A_218 = tpu.memref_slice %arg7[%dma_start3A_208, %dma_start3A_209] : memref<2x2x!tpu.dma_semaphore, #tpu.memory_space<semaphore_mem>> -> memref<1x1x!tpu.dma_semaphore, #tpu.memory_space<semaphore_mem>>
      %dma_start3A_219 = tpu.memref_squeeze %dma_start3A_218 : memref<1x1x!tpu.dma_semaphore, #tpu.memory_space<semaphore_mem>> -> memref<!tpu.dma_semaphore, #tpu.memory_space<semaphore_mem>>
      tpu.enqueue_indirect_dma source(%dma_start3A_217 : memref<100000x128xf32, #tpu.memory_space<hbm>>) target(%dma_start3A_213 : memref<200x128xf32, #tpu.memory_space<vmem>>) offsets(%dma_start3A_214 : memref<200xi32, #tpu.memory_space<vmem>>) semaphore(%dma_start3A_219 : memref<!tpu.dma_semaphore, #tpu.memory_space<semaphore_mem>>)
      %add3A_220 = arith.constant 200 : i32
      %add3A_221 = arith.addi %mul3A_190, %add3A_220 : i32
      %dma_start3A_222 = arith.constant 0 : i32
      %dma_start3A_223 = arith.constant 0 : i32
      %dma_start3A_224 = arith.constant 1 : i32
      %dma_start3A_225 = arith.constant 200 : i32
      %dma_start3A_226 = arith.constant 0 : i32
      %dma_start3A_227 = tpu.memref_slice %arg6[%dma_start3A_222, %dma_start3A_225, %dma_start3A_226] : memref<2x400x128xf32, #tpu.memory_space<vmem>> -> memref<1x200x128xf32, #tpu.memory_space<vmem>>
      %dma_start3A_228 = tpu.memref_squeeze %dma_start3A_227 : memref<1x200x128xf32, #tpu.memory_space<vmem>> -> memref<200x128xf32, #tpu.memory_space<vmem>>
      %dma_start3A_229 = tpu.memref_slice %arg5[%add3A_221] : memref<6400xi32, #tpu.memory_space<vmem>> -> memref<200xi32, #tpu.memory_space<vmem>>
      %dma_start3A_230 = arith.constant 0 : i32
      %dma_start3A_231 = arith.constant 0 : i32
      %dma_start3A_232 = tpu.memref_slice %arg3[%dma_start3A_230, %dma_start3A_231] : memref<100000x128xf32, #tpu.memory_space<hbm>> -> memref<100000x128xf32, #tpu.memory_space<hbm>>
      %dma_start3A_233 = tpu.memref_slice %arg7[%dma_start3A_223, %dma_start3A_224] : memref<2x2x!tpu.dma_semaphore, #tpu.memory_space<semaphore_mem>> -> memref<1x1x!tpu.dma_semaphore, #tpu.memory_space<semaphore_mem>>
      %dma_start3A_234 = tpu.memref_squeeze %dma_start3A_233 : memref<1x1x!tpu.dma_semaphore, #tpu.memory_space<semaphore_mem>> -> memref<!tpu.dma_semaphore, #tpu.memory_space<semaphore_mem>>
      tpu.enqueue_indirect_dma source(%dma_start3A_232 : memref<100000x128xf32, #tpu.memory_space<hbm>>) target(%dma_start3A_228 : memref<200x128xf32, #tpu.memory_space<vmem>>) offsets(%dma_start3A_229 : memref<200xi32, #tpu.memory_space<vmem>>) semaphore(%dma_start3A_234 : memref<!tpu.dma_semaphore, #tpu.memory_space<semaphore_mem>>)
      %dma_wait3A_235 = arith.constant 1 : i32
      %dma_wait3A_236 = arith.constant 1 : i32
      %dma_wait3A_237 = arith.constant 0 : i32
      %dma_wait3A_238 = arith.constant 0 : i32
      %dma_wait3A_239 = arith.constant 0 : i32
      %dma_wait3A_240 = tpu.memref_slice %arg6[%dma_wait3A_235, %dma_wait3A_238, %dma_wait3A_239] : memref<2x400x128xf32, #tpu.memory_space<vmem>> -> memref<1x200x128xf32, #tpu.memory_space<vmem>>
      %dma_wait3A_241 = tpu.memref_squeeze %dma_wait3A_240 : memref<1x200x128xf32, #tpu.memory_space<vmem>> -> memref<200x128xf32, #tpu.memory_space<vmem>>
      %dma_wait3A_242 = arith.constant 0 : i32
      %dma_wait3A_243 = tpu.memref_slice %arg5[%dma_wait3A_242] : memref<6400xi32, #tpu.memory_space<vmem>> -> memref<200xi32, #tpu.memory_space<vmem>>
      %dma_wait3A_244 = arith.constant 0 : i32
      %dma_wait3A_245 = arith.constant 0 : i32
      %dma_wait3A_246 = tpu.memref_slice %arg3[%dma_wait3A_244, %dma_wait3A_245] : memref<100000x128xf32, #tpu.memory_space<hbm>> -> memref<100000x128xf32, #tpu.memory_space<hbm>>
      %dma_wait3A_247 = tpu.memref_slice %arg7[%dma_wait3A_236, %dma_wait3A_237] : memref<2x2x!tpu.dma_semaphore, #tpu.memory_space<semaphore_mem>> -> memref<1x1x!tpu.dma_semaphore, #tpu.memory_space<semaphore_mem>>
      %dma_wait3A_248 = tpu.memref_squeeze %dma_wait3A_247 : memref<1x1x!tpu.dma_semaphore, #tpu.memory_space<semaphore_mem>> -> memref<!tpu.dma_semaphore, #tpu.memory_space<semaphore_mem>>
      tpu.wait_indirect_dma semaphore(%dma_wait3A_248 : memref<!tpu.dma_semaphore, #tpu.memory_space<semaphore_mem>>) src(%dma_wait3A_246 : memref<100000x128xf32, #tpu.memory_space<hbm>>) dst(%dma_wait3A_241 : memref<200x128xf32, #tpu.memory_space<vmem>>)
      %dma_wait3A_249 = arith.constant 1 : i32
      %dma_wait3A_250 = arith.constant 1 : i32
      %dma_wait3A_251 = arith.constant 1 : i32
      %dma_wait3A_252 = arith.constant 200 : i32
      %dma_wait3A_253 = arith.constant 0 : i32
      %dma_wait3A_254 = tpu.memref_slice %arg6[%dma_wait3A_249, %dma_wait3A_252, %dma_wait3A_253] : memref<2x400x128xf32, #tpu.memory_space<vmem>> -> memref<1x200x128xf32, #tpu.memory_space<vmem>>
      %dma_wait3A_255 = tpu.memref_squeeze %dma_wait3A_254 : memref<1x200x128xf32, #tpu.memory_space<vmem>> -> memref<200x128xf32, #tpu.memory_space<vmem>>
      %dma_wait3A_256 = arith.constant 0 : i32
      %dma_wait3A_257 = tpu.memref_slice %arg5[%dma_wait3A_256] : memref<6400xi32, #tpu.memory_space<vmem>> -> memref<200xi32, #tpu.memory_space<vmem>>
      %dma_wait3A_258 = arith.constant 0 : i32
      %dma_wait3A_259 = arith.constant 0 : i32
      %dma_wait3A_260 = tpu.memref_slice %arg3[%dma_wait3A_258, %dma_wait3A_259] : memref<100000x128xf32, #tpu.memory_space<hbm>> -> memref<100000x128xf32, #tpu.memory_space<hbm>>
      %dma_wait3A_261 = tpu.memref_slice %arg7[%dma_wait3A_250, %dma_wait3A_251] : memref<2x2x!tpu.dma_semaphore, #tpu.memory_space<semaphore_mem>> -> memref<1x1x!tpu.dma_semaphore, #tpu.memory_space<semaphore_mem>>
      %dma_wait3A_262 = tpu.memref_squeeze %dma_wait3A_261 : memref<1x1x!tpu.dma_semaphore, #tpu.memory_space<semaphore_mem>> -> memref<!tpu.dma_semaphore, #tpu.memory_space<semaphore_mem>>
      tpu.wait_indirect_dma semaphore(%dma_wait3A_262 : memref<!tpu.dma_semaphore, #tpu.memory_space<semaphore_mem>>) src(%dma_wait3A_260 : memref<100000x128xf32, #tpu.memory_space<hbm>>) dst(%dma_wait3A_255 : memref<200x128xf32, #tpu.memory_space<vmem>>)
      %sub3A = arith.constant 400 : i32
      %sub3A_263 = arith.subi %mul3A_190, %sub3A : i32
      %add3A_264 = arith.addi %mul3A_2, %sub3A_263 : i32
      %dma_start3A_265 = arith.constant 1 : i32
      %dma_start3A_266 = arith.constant 1 : i32
      %dma_start3A_267 = arith.constant 0 : i32
      %dma_start3A_268 = arith.constant 0 : i32
      %dma_start3A_269 = tpu.memref_slice %arg6[%dma_start3A_265, %dma_start3A_267, %dma_start3A_268] : memref<2x400x128xf32, #tpu.memory_space<vmem>> -> memref<1x400x128xf32, #tpu.memory_space<vmem>>
      %dma_start3A_270 = tpu.memref_squeeze %dma_start3A_269 : memref<1x400x128xf32, #tpu.memory_space<vmem>> -> memref<400x128xf32, #tpu.memory_space<vmem>>
      %dma_start3A_271 = arith.constant 0 : i32
      %dma_start3A_272 = tpu.memref_slice %arg4[%add3A_264, %dma_start3A_271] : memref<204800x128xf32, #tpu.memory_space<hbm>> -> memref<400x128xf32, #tpu.memory_space<hbm>>
      %dma_start3A_273 = tpu.memref_slice %arg8[%dma_start3A_266] : memref<2x!tpu.dma_semaphore, #tpu.memory_space<semaphore_mem>> -> memref<1x!tpu.dma_semaphore, #tpu.memory_space<semaphore_mem>>
      %dma_start3A_274 = tpu.memref_squeeze %dma_start3A_273 : memref<1x!tpu.dma_semaphore, #tpu.memory_space<semaphore_mem>> -> memref<!tpu.dma_semaphore, #tpu.memory_space<semaphore_mem>>
      %dma_start3A_275 = arith.constant 0 : i32
      %dma_start3A_276 = tpu.memref_slice %arg4[%add3A_264, %dma_start3A_275] : memref<204800x128xf32, #tpu.memory_space<hbm>> -> memref<400x128xf32, #tpu.memory_space<hbm>>
      %dma_start3A_277 = arith.constant 0 : i32
      %dma_start3A_278 = arith.constant 0 : i32
      %dma_start3A_279 = tpu.memref_slice %arg6[%dma_start3A_265, %dma_start3A_277, %dma_start3A_278] : memref<2x400x128xf32, #tpu.memory_space<vmem>> -> memref<1x400x128xf32, #tpu.memory_space<vmem>>
      %dma_start3A_280 = tpu.memref_squeeze %dma_start3A_279 : memref<1x400x128xf32, #tpu.memory_space<vmem>> -> memref<400x128xf32, #tpu.memory_space<vmem>>
      tpu.enqueue_dma source(%dma_start3A_280 : memref<400x128xf32, #tpu.memory_space<vmem>>) target(%dma_start3A_276 : memref<400x128xf32, #tpu.memory_space<hbm>>) target_semaphore(%dma_start3A_274 : memref<!tpu.dma_semaphore, #tpu.memory_space<semaphore_mem>>)
      %dma_wait3A_281 = arith.constant 1 : i32
      %dma_wait3A_282 = arith.constant 1 : i32
      %dma_wait3A_283 = arith.constant 0 : i32
      %dma_wait3A_284 = arith.constant 0 : i32
      %dma_wait3A_285 = tpu.memref_slice %arg6[%dma_wait3A_281, %dma_wait3A_283, %dma_wait3A_284] : memref<2x400x128xf32, #tpu.memory_space<vmem>> -> memref<1x400x128xf32, #tpu.memory_space<vmem>>
      %dma_wait3A_286 = tpu.memref_squeeze %dma_wait3A_285 : memref<1x400x128xf32, #tpu.memory_space<vmem>> -> memref<400x128xf32, #tpu.memory_space<vmem>>
      %dma_wait3A_287 = arith.constant 0 : i32
      %dma_wait3A_288 = tpu.memref_slice %arg4[%mul3A_2, %dma_wait3A_287] : memref<204800x128xf32, #tpu.memory_space<hbm>> -> memref<400x128xf32, #tpu.memory_space<hbm>>
      %dma_wait3A_289 = tpu.memref_slice %arg8[%dma_wait3A_282] : memref<2x!tpu.dma_semaphore, #tpu.memory_space<semaphore_mem>> -> memref<1x!tpu.dma_semaphore, #tpu.memory_space<semaphore_mem>>
      %dma_wait3A_290 = tpu.memref_squeeze %dma_wait3A_289 : memref<1x!tpu.dma_semaphore, #tpu.memory_space<semaphore_mem>> -> memref<!tpu.dma_semaphore, #tpu.memory_space<semaphore_mem>>
      %dma_wait3A_291 = arith.constant 0 : i32
      %dma_wait3A_292 = tpu.memref_slice %arg4[%mul3A_2, %dma_wait3A_291] : memref<204800x128xf32, #tpu.memory_space<hbm>> -> memref<400x128xf32, #tpu.memory_space<hbm>>
      %dma_wait3A_293 = arith.constant 0 : i32
      %dma_wait3A_294 = arith.constant 0 : i32
      %dma_wait3A_295 = tpu.memref_slice %arg6[%dma_wait3A_281, %dma_wait3A_293, %dma_wait3A_294] : memref<2x400x128xf32, #tpu.memory_space<vmem>> -> memref<1x400x128xf32, #tpu.memory_space<vmem>>
      %dma_wait3A_296 = tpu.memref_squeeze %dma_wait3A_295 : memref<1x400x128xf32, #tpu.memory_space<vmem>> -> memref<400x128xf32, #tpu.memory_space<vmem>>
      tpu.wait_dma2 semaphore(%dma_wait3A_290 : memref<!tpu.dma_semaphore, #tpu.memory_space<semaphore_mem>>) src(%dma_wait3A_296 : memref<400x128xf32, #tpu.memory_space<vmem>>) dst(%dma_wait3A_292 : memref<400x128xf32, #tpu.memory_space<hbm>>)
      %add3A_297 = arith.constant 400 : i32
      %add3A_298 = arith.addi %mul3A_190, %add3A_297 : i32
      %dma_start3A_299 = arith.constant 1 : i32
      %dma_start3A_300 = arith.constant 1 : i32
      %dma_start3A_301 = arith.constant 0 : i32
      %dma_start3A_302 = arith.constant 0 : i32
      %dma_start3A_303 = arith.constant 0 : i32
      %dma_start3A_304 = tpu.memref_slice %arg6[%dma_start3A_299, %dma_start3A_302, %dma_start3A_303] : memref<2x400x128xf32, #tpu.memory_space<vmem>> -> memref<1x200x128xf32, #tpu.memory_space<vmem>>
      %dma_start3A_305 = tpu.memref_squeeze %dma_start3A_304 : memref<1x200x128xf32, #tpu.memory_space<vmem>> -> memref<200x128xf32, #tpu.memory_space<vmem>>
      %dma_start3A_306 = tpu.memref_slice %arg5[%add3A_298] : memref<6400xi32, #tpu.memory_space<vmem>> -> memref<200xi32, #tpu.memory_space<vmem>>
      %dma_start3A_307 = arith.constant 0 : i32
      %dma_start3A_308 = arith.constant 0 : i32
      %dma_start3A_309 = tpu.memref_slice %arg3[%dma_start3A_307, %dma_start3A_308] : memref<100000x128xf32, #tpu.memory_space<hbm>> -> memref<100000x128xf32, #tpu.memory_space<hbm>>
      %dma_start3A_310 = tpu.memref_slice %arg7[%dma_start3A_300, %dma_start3A_301] : memref<2x2x!tpu.dma_semaphore, #tpu.memory_space<semaphore_mem>> -> memref<1x1x!tpu.dma_semaphore, #tpu.memory_space<semaphore_mem>>
      %dma_start3A_311 = tpu.memref_squeeze %dma_start3A_310 : memref<1x1x!tpu.dma_semaphore, #tpu.memory_space<semaphore_mem>> -> memref<!tpu.dma_semaphore, #tpu.memory_space<semaphore_mem>>
      tpu.enqueue_indirect_dma source(%dma_start3A_309 : memref<100000x128xf32, #tpu.memory_space<hbm>>) target(%dma_start3A_305 : memref<200x128xf32, #tpu.memory_space<vmem>>) offsets(%dma_start3A_306 : memref<200xi32, #tpu.memory_space<vmem>>) semaphore(%dma_start3A_311 : memref<!tpu.dma_semaphore, #tpu.memory_space<semaphore_mem>>)
      %add3A_312 = arith.constant 600 : i32
      %add3A_313 = arith.addi %mul3A_190, %add3A_312 : i32
      %dma_start3A_314 = arith.constant 1 : i32
      %dma_start3A_315 = arith.constant 1 : i32
      %dma_start3A_316 = arith.constant 1 : i32
      %dma_start3A_317 = arith.constant 200 : i32
      %dma_start3A_318 = arith.constant 0 : i32
      %dma_start3A_319 = tpu.memref_slice %arg6[%dma_start3A_314, %dma_start3A_317, %dma_start3A_318] : memref<2x400x128xf32, #tpu.memory_space<vmem>> -> memref<1x200x128xf32, #tpu.memory_space<vmem>>
      %dma_start3A_320 = tpu.memref_squeeze %dma_start3A_319 : memref<1x200x128xf32, #tpu.memory_space<vmem>> -> memref<200x128xf32, #tpu.memory_space<vmem>>
      %dma_start3A_321 = tpu.memref_slice %arg5[%add3A_313] : memref<6400xi32, #tpu.memory_space<vmem>> -> memref<200xi32, #tpu.memory_space<vmem>>
      %dma_start3A_322 = arith.constant 0 : i32
      %dma_start3A_323 = arith.constant 0 : i32
      %dma_start3A_324 = tpu.memref_slice %arg3[%dma_start3A_322, %dma_start3A_323] : memref<100000x128xf32, #tpu.memory_space<hbm>> -> memref<100000x128xf32, #tpu.memory_space<hbm>>
      %dma_start3A_325 = tpu.memref_slice %arg7[%dma_start3A_315, %dma_start3A_316] : memref<2x2x!tpu.dma_semaphore, #tpu.memory_space<semaphore_mem>> -> memref<1x1x!tpu.dma_semaphore, #tpu.memory_space<semaphore_mem>>
      %dma_start3A_326 = tpu.memref_squeeze %dma_start3A_325 : memref<1x1x!tpu.dma_semaphore, #tpu.memory_space<semaphore_mem>> -> memref<!tpu.dma_semaphore, #tpu.memory_space<semaphore_mem>>
      tpu.enqueue_indirect_dma source(%dma_start3A_324 : memref<100000x128xf32, #tpu.memory_space<hbm>>) target(%dma_start3A_320 : memref<200x128xf32, #tpu.memory_space<vmem>>) offsets(%dma_start3A_321 : memref<200xi32, #tpu.memory_space<vmem>>) semaphore(%dma_start3A_326 : memref<!tpu.dma_semaphore, #tpu.memory_space<semaphore_mem>>)
      %dma_wait3A_327 = arith.constant 0 : i32
      %dma_wait3A_328 = arith.constant 0 : i32
      %dma_wait3A_329 = arith.constant 0 : i32
      %dma_wait3A_330 = arith.constant 0 : i32
      %dma_wait3A_331 = arith.constant 0 : i32
      %dma_wait3A_332 = tpu.memref_slice %arg6[%dma_wait3A_327, %dma_wait3A_330, %dma_wait3A_331] : memref<2x400x128xf32, #tpu.memory_space<vmem>> -> memref<1x200x128xf32, #tpu.memory_space<vmem>>
      %dma_wait3A_333 = tpu.memref_squeeze %dma_wait3A_332 : memref<1x200x128xf32, #tpu.memory_space<vmem>> -> memref<200x128xf32, #tpu.memory_space<vmem>>
      %dma_wait3A_334 = arith.constant 0 : i32
      %dma_wait3A_335 = tpu.memref_slice %arg5[%dma_wait3A_334] : memref<6400xi32, #tpu.memory_space<vmem>> -> memref<200xi32, #tpu.memory_space<vmem>>
      %dma_wait3A_336 = arith.constant 0 : i32
      %dma_wait3A_337 = arith.constant 0 : i32
      %dma_wait3A_338 = tpu.memref_slice %arg3[%dma_wait3A_336, %dma_wait3A_337] : memref<100000x128xf32, #tpu.memory_space<hbm>> -> memref<100000x128xf32, #tpu.memory_space<hbm>>
      %dma_wait3A_339 = tpu.memref_slice %arg7[%dma_wait3A_328, %dma_wait3A_329] : memref<2x2x!tpu.dma_semaphore, #tpu.memory_space<semaphore_mem>> -> memref<1x1x!tpu.dma_semaphore, #tpu.memory_space<semaphore_mem>>
      %dma_wait3A_340 = tpu.memref_squeeze %dma_wait3A_339 : memref<1x1x!tpu.dma_semaphore, #tpu.memory_space<semaphore_mem>> -> memref<!tpu.dma_semaphore, #tpu.memory_space<semaphore_mem>>
      tpu.wait_indirect_dma semaphore(%dma_wait3A_340 : memref<!tpu.dma_semaphore, #tpu.memory_space<semaphore_mem>>) src(%dma_wait3A_338 : memref<100000x128xf32, #tpu.memory_space<hbm>>) dst(%dma_wait3A_333 : memref<200x128xf32, #tpu.memory_space<vmem>>)
      %dma_wait3A_341 = arith.constant 0 : i32
      %dma_wait3A_342 = arith.constant 0 : i32
      %dma_wait3A_343 = arith.constant 1 : i32
      %dma_wait3A_344 = arith.constant 200 : i32
      %dma_wait3A_345 = arith.constant 0 : i32
      %dma_wait3A_346 = tpu.memref_slice %arg6[%dma_wait3A_341, %dma_wait3A_344, %dma_wait3A_345] : memref<2x400x128xf32, #tpu.memory_space<vmem>> -> memref<1x200x128xf32, #tpu.memory_space<vmem>>
      %dma_wait3A_347 = tpu.memref_squeeze %dma_wait3A_346 : memref<1x200x128xf32, #tpu.memory_space<vmem>> -> memref<200x128xf32, #tpu.memory_space<vmem>>
      %dma_wait3A_348 = arith.constant 0 : i32
      %dma_wait3A_349 = tpu.memref_slice %arg5[%dma_wait3A_348] : memref<6400xi32, #tpu.memory_space<vmem>> -> memref<200xi32, #tpu.memory_space<vmem>>
      %dma_wait3A_350 = arith.constant 0 : i32
      %dma_wait3A_351 = arith.constant 0 : i32
      %dma_wait3A_352 = tpu.memref_slice %arg3[%dma_wait3A_350, %dma_wait3A_351] : memref<100000x128xf32, #tpu.memory_space<hbm>> -> memref<100000x128xf32, #tpu.memory_space<hbm>>
      %dma_wait3A_353 = tpu.memref_slice %arg7[%dma_wait3A_342, %dma_wait3A_343] : memref<2x2x!tpu.dma_semaphore, #tpu.memory_space<semaphore_mem>> -> memref<1x1x!tpu.dma_semaphore, #tpu.memory_space<semaphore_mem>>
      %dma_wait3A_354 = tpu.memref_squeeze %dma_wait3A_353 : memref<1x1x!tpu.dma_semaphore, #tpu.memory_space<semaphore_mem>> -> memref<!tpu.dma_semaphore, #tpu.memory_space<semaphore_mem>>
      tpu.wait_indirect_dma semaphore(%dma_wait3A_354 : memref<!tpu.dma_semaphore, #tpu.memory_space<semaphore_mem>>) src(%dma_wait3A_352 : memref<100000x128xf32, #tpu.memory_space<hbm>>) dst(%dma_wait3A_347 : memref<200x128xf32, #tpu.memory_space<vmem>>)
      %add3A_355 = arith.addi %mul3A_2, %mul3A_190 : i32
      %dma_start3A_356 = arith.constant 0 : i32
      %dma_start3A_357 = arith.constant 0 : i32
      %dma_start3A_358 = arith.constant 0 : i32
      %dma_start3A_359 = arith.constant 0 : i32
      %dma_start3A_360 = tpu.memref_slice %arg6[%dma_start3A_356, %dma_start3A_358, %dma_start3A_359] : memref<2x400x128xf32, #tpu.memory_space<vmem>> -> memref<1x400x128xf32, #tpu.memory_space<vmem>>
      %dma_start3A_361 = tpu.memref_squeeze %dma_start3A_360 : memref<1x400x128xf32, #tpu.memory_space<vmem>> -> memref<400x128xf32, #tpu.memory_space<vmem>>
      %dma_start3A_362 = arith.constant 0 : i32
      %dma_start3A_363 = tpu.memref_slice %arg4[%add3A_355, %dma_start3A_362] : memref<204800x128xf32, #tpu.memory_space<hbm>> -> memref<400x128xf32, #tpu.memory_space<hbm>>
      %dma_start3A_364 = tpu.memref_slice %arg8[%dma_start3A_357] : memref<2x!tpu.dma_semaphore, #tpu.memory_space<semaphore_mem>> -> memref<1x!tpu.dma_semaphore, #tpu.memory_space<semaphore_mem>>
      %dma_start3A_365 = tpu.memref_squeeze %dma_start3A_364 : memref<1x!tpu.dma_semaphore, #tpu.memory_space<semaphore_mem>> -> memref<!tpu.dma_semaphore, #tpu.memory_space<semaphore_mem>>
      %dma_start3A_366 = arith.constant 0 : i32
      %dma_start3A_367 = tpu.memref_slice %arg4[%add3A_355, %dma_start3A_366] : memref<204800x128xf32, #tpu.memory_space<hbm>> -> memref<400x128xf32, #tpu.memory_space<hbm>>
      %dma_start3A_368 = arith.constant 0 : i32
      %dma_start3A_369 = arith.constant 0 : i32
      %dma_start3A_370 = tpu.memref_slice %arg6[%dma_start3A_356, %dma_start3A_368, %dma_start3A_369] : memref<2x400x128xf32, #tpu.memory_space<vmem>> -> memref<1x400x128xf32, #tpu.memory_space<vmem>>
      %dma_start3A_371 = tpu.memref_squeeze %dma_start3A_370 : memref<1x400x128xf32, #tpu.memory_space<vmem>> -> memref<400x128xf32, #tpu.memory_space<vmem>>
      tpu.enqueue_dma source(%dma_start3A_371 : memref<400x128xf32, #tpu.memory_space<vmem>>) target(%dma_start3A_367 : memref<400x128xf32, #tpu.memory_space<hbm>>) target_semaphore(%dma_start3A_365 : memref<!tpu.dma_semaphore, #tpu.memory_space<semaphore_mem>>)
    }
    %scan3A_107 = arith.constant 7 : i32
    %dma_wait3A_108 = arith.constant 1 : i32
    %dma_wait3A_109 = arith.constant 1 : i32
    %dma_wait3A_110 = arith.constant 0 : i32
    %dma_wait3A_111 = arith.constant 0 : i32
    %dma_wait3A_112 = arith.constant 0 : i32
    %dma_wait3A_113 = tpu.memref_slice %arg6[%dma_wait3A_108, %dma_wait3A_111, %dma_wait3A_112] : memref<2x400x128xf32, #tpu.memory_space<vmem>> -> memref<1x200x128xf32, #tpu.memory_space<vmem>>
    %dma_wait3A_114 = tpu.memref_squeeze %dma_wait3A_113 : memref<1x200x128xf32, #tpu.memory_space<vmem>> -> memref<200x128xf32, #tpu.memory_space<vmem>>
    %dma_wait3A_115 = arith.constant 0 : i32
    %dma_wait3A_116 = tpu.memref_slice %arg5[%dma_wait3A_115] : memref<6400xi32, #tpu.memory_space<vmem>> -> memref<200xi32, #tpu.memory_space<vmem>>
    %dma_wait3A_117 = arith.constant 0 : i32
    %dma_wait3A_118 = arith.constant 0 : i32
    %dma_wait3A_119 = tpu.memref_slice %arg3[%dma_wait3A_117, %dma_wait3A_118] : memref<100000x128xf32, #tpu.memory_space<hbm>> -> memref<100000x128xf32, #tpu.memory_space<hbm>>
    %dma_wait3A_120 = tpu.memref_slice %arg7[%dma_wait3A_109, %dma_wait3A_110] : memref<2x2x!tpu.dma_semaphore, #tpu.memory_space<semaphore_mem>> -> memref<1x1x!tpu.dma_semaphore, #tpu.memory_space<semaphore_mem>>
    %dma_wait3A_121 = tpu.memref_squeeze %dma_wait3A_120 : memref<1x1x!tpu.dma_semaphore, #tpu.memory_space<semaphore_mem>> -> memref<!tpu.dma_semaphore, #tpu.memory_space<semaphore_mem>>
    tpu.wait_indirect_dma semaphore(%dma_wait3A_121 : memref<!tpu.dma_semaphore, #tpu.memory_space<semaphore_mem>>) src(%dma_wait3A_119 : memref<100000x128xf32, #tpu.memory_space<hbm>>) dst(%dma_wait3A_114 : memref<200x128xf32, #tpu.memory_space<vmem>>)
    %dma_wait3A_122 = arith.constant 1 : i32
    %dma_wait3A_123 = arith.constant 1 : i32
    %dma_wait3A_124 = arith.constant 1 : i32
    %dma_wait3A_125 = arith.constant 200 : i32
    %dma_wait3A_126 = arith.constant 0 : i32
    %dma_wait3A_127 = tpu.memref_slice %arg6[%dma_wait3A_122, %dma_wait3A_125, %dma_wait3A_126] : memref<2x400x128xf32, #tpu.memory_space<vmem>> -> memref<1x200x128xf32, #tpu.memory_space<vmem>>
    %dma_wait3A_128 = tpu.memref_squeeze %dma_wait3A_127 : memref<1x200x128xf32, #tpu.memory_space<vmem>> -> memref<200x128xf32, #tpu.memory_space<vmem>>
    %dma_wait3A_129 = arith.constant 0 : i32
    %dma_wait3A_130 = tpu.memref_slice %arg5[%dma_wait3A_129] : memref<6400xi32, #tpu.memory_space<vmem>> -> memref<200xi32, #tpu.memory_space<vmem>>
    %dma_wait3A_131 = arith.constant 0 : i32
    %dma_wait3A_132 = arith.constant 0 : i32
    %dma_wait3A_133 = tpu.memref_slice %arg3[%dma_wait3A_131, %dma_wait3A_132] : memref<100000x128xf32, #tpu.memory_space<hbm>> -> memref<100000x128xf32, #tpu.memory_space<hbm>>
    %dma_wait3A_134 = tpu.memref_slice %arg7[%dma_wait3A_123, %dma_wait3A_124] : memref<2x2x!tpu.dma_semaphore, #tpu.memory_space<semaphore_mem>> -> memref<1x1x!tpu.dma_semaphore, #tpu.memory_space<semaphore_mem>>
    %dma_wait3A_135 = tpu.memref_squeeze %dma_wait3A_134 : memref<1x1x!tpu.dma_semaphore, #tpu.memory_space<semaphore_mem>> -> memref<!tpu.dma_semaphore, #tpu.memory_space<semaphore_mem>>
    tpu.wait_indirect_dma semaphore(%dma_wait3A_135 : memref<!tpu.dma_semaphore, #tpu.memory_space<semaphore_mem>>) src(%dma_wait3A_133 : memref<100000x128xf32, #tpu.memory_space<hbm>>) dst(%dma_wait3A_128 : memref<200x128xf32, #tpu.memory_space<vmem>>)
    %add3A_136 = arith.constant 6000 : i32
    %add3A_137 = arith.addi %mul3A_2, %add3A_136 : i32
    %dma_start3A_138 = arith.constant 1 : i32
    %dma_start3A_139 = arith.constant 1 : i32
    %dma_start3A_140 = arith.constant 0 : i32
    %dma_start3A_141 = arith.constant 0 : i32
    %dma_start3A_142 = tpu.memref_slice %arg6[%dma_start3A_138, %dma_start3A_140, %dma_start3A_141] : memref<2x400x128xf32, #tpu.memory_space<vmem>> -> memref<1x400x128xf32, #tpu.memory_space<vmem>>
    %dma_start3A_143 = tpu.memref_squeeze %dma_start3A_142 : memref<1x400x128xf32, #tpu.memory_space<vmem>> -> memref<400x128xf32, #tpu.memory_space<vmem>>
    %dma_start3A_144 = arith.constant 0 : i32
    %dma_start3A_145 = tpu.memref_slice %arg4[%add3A_137, %dma_start3A_144] : memref<204800x128xf32, #tpu.memory_space<hbm>> -> memref<400x128xf32, #tpu.memory_space<hbm>>
    %dma_start3A_146 = tpu.memref_slice %arg8[%dma_start3A_139] : memref<2x!tpu.dma_semaphore, #tpu.memory_space<semaphore_mem>> -> memref<1x!tpu.dma_semaphore, #tpu.memory_space<semaphore_mem>>
    %dma_start3A_147 = tpu.memref_squeeze %dma_start3A_146 : memref<1x!tpu.dma_semaphore, #tpu.memory_space<semaphore_mem>> -> memref<!tpu.dma_semaphore, #tpu.memory_space<semaphore_mem>>
    %dma_start3A_148 = arith.constant 0 : i32
    %dma_start3A_149 = tpu.memref_slice %arg4[%add3A_137, %dma_start3A_148] : memref<204800x128xf32, #tpu.memory_space<hbm>> -> memref<400x128xf32, #tpu.memory_space<hbm>>
    %dma_start3A_150 = arith.constant 0 : i32
    %dma_start3A_151 = arith.constant 0 : i32
    %dma_start3A_152 = tpu.memref_slice %arg6[%dma_start3A_138, %dma_start3A_150, %dma_start3A_151] : memref<2x400x128xf32, #tpu.memory_space<vmem>> -> memref<1x400x128xf32, #tpu.memory_space<vmem>>
    %dma_start3A_153 = tpu.memref_squeeze %dma_start3A_152 : memref<1x400x128xf32, #tpu.memory_space<vmem>> -> memref<400x128xf32, #tpu.memory_space<vmem>>
    tpu.enqueue_dma source(%dma_start3A_153 : memref<400x128xf32, #tpu.memory_space<vmem>>) target(%dma_start3A_149 : memref<400x128xf32, #tpu.memory_space<hbm>>) target_semaphore(%dma_start3A_147 : memref<!tpu.dma_semaphore, #tpu.memory_space<semaphore_mem>>)
    %dma_wait3A_154 = arith.constant 0 : i32
    %dma_wait3A_155 = arith.constant 0 : i32
    %dma_wait3A_156 = arith.constant 0 : i32
    %dma_wait3A_157 = arith.constant 0 : i32
    %dma_wait3A_158 = tpu.memref_slice %arg6[%dma_wait3A_154, %dma_wait3A_156, %dma_wait3A_157] : memref<2x400x128xf32, #tpu.memory_space<vmem>> -> memref<1x400x128xf32, #tpu.memory_space<vmem>>
    %dma_wait3A_159 = tpu.memref_squeeze %dma_wait3A_158 : memref<1x400x128xf32, #tpu.memory_space<vmem>> -> memref<400x128xf32, #tpu.memory_space<vmem>>
    %dma_wait3A_160 = arith.constant 0 : i32
    %dma_wait3A_161 = tpu.memref_slice %arg4[%mul3A_2, %dma_wait3A_160] : memref<204800x128xf32, #tpu.memory_space<hbm>> -> memref<400x128xf32, #tpu.memory_space<hbm>>
    %dma_wait3A_162 = tpu.memref_slice %arg8[%dma_wait3A_155] : memref<2x!tpu.dma_semaphore, #tpu.memory_space<semaphore_mem>> -> memref<1x!tpu.dma_semaphore, #tpu.memory_space<semaphore_mem>>
    %dma_wait3A_163 = tpu.memref_squeeze %dma_wait3A_162 : memref<1x!tpu.dma_semaphore, #tpu.memory_space<semaphore_mem>> -> memref<!tpu.dma_semaphore, #tpu.memory_space<semaphore_mem>>
    %dma_wait3A_164 = arith.constant 0 : i32
    %dma_wait3A_165 = tpu.memref_slice %arg4[%mul3A_2, %dma_wait3A_164] : memref<204800x128xf32, #tpu.memory_space<hbm>> -> memref<400x128xf32, #tpu.memory_space<hbm>>
    %dma_wait3A_166 = arith.constant 0 : i32
    %dma_wait3A_167 = arith.constant 0 : i32
    %dma_wait3A_168 = tpu.memref_slice %arg6[%dma_wait3A_154, %dma_wait3A_166, %dma_wait3A_167] : memref<2x400x128xf32, #tpu.memory_space<vmem>> -> memref<1x400x128xf32, #tpu.memory_space<vmem>>
    %dma_wait3A_169 = tpu.memref_squeeze %dma_wait3A_168 : memref<1x400x128xf32, #tpu.memory_space<vmem>> -> memref<400x128xf32, #tpu.memory_space<vmem>>
    tpu.wait_dma2 semaphore(%dma_wait3A_163 : memref<!tpu.dma_semaphore, #tpu.memory_space<semaphore_mem>>) src(%dma_wait3A_169 : memref<400x128xf32, #tpu.memory_space<vmem>>) dst(%dma_wait3A_165 : memref<400x128xf32, #tpu.memory_space<hbm>>)
    %dma_wait3A_170 = arith.constant 1 : i32
    %dma_wait3A_171 = arith.constant 1 : i32
    %dma_wait3A_172 = arith.constant 0 : i32
    %dma_wait3A_173 = arith.constant 0 : i32
    %dma_wait3A_174 = tpu.memref_slice %arg6[%dma_wait3A_170, %dma_wait3A_172, %dma_wait3A_173] : memref<2x400x128xf32, #tpu.memory_space<vmem>> -> memref<1x400x128xf32, #tpu.memory_space<vmem>>
    %dma_wait3A_175 = tpu.memref_squeeze %dma_wait3A_174 : memref<1x400x128xf32, #tpu.memory_space<vmem>> -> memref<400x128xf32, #tpu.memory_space<vmem>>
    %dma_wait3A_176 = arith.constant 0 : i32
    %dma_wait3A_177 = tpu.memref_slice %arg4[%mul3A_2, %dma_wait3A_176] : memref<204800x128xf32, #tpu.memory_space<hbm>> -> memref<400x128xf32, #tpu.memory_space<hbm>>
    %dma_wait3A_178 = tpu.memref_slice %arg8[%dma_wait3A_171] : memref<2x!tpu.dma_semaphore, #tpu.memory_space<semaphore_mem>> -> memref<1x!tpu.dma_semaphore, #tpu.memory_space<semaphore_mem>>
    %dma_wait3A_179 = tpu.memref_squeeze %dma_wait3A_178 : memref<1x!tpu.dma_semaphore, #tpu.memory_space<semaphore_mem>> -> memref<!tpu.dma_semaphore, #tpu.memory_space<semaphore_mem>>
    %dma_wait3A_180 = arith.constant 0 : i32
    %dma_wait3A_181 = tpu.memref_slice %arg4[%mul3A_2, %dma_wait3A_180] : memref<204800x128xf32, #tpu.memory_space<hbm>> -> memref<400x128xf32, #tpu.memory_space<hbm>>
    %dma_wait3A_182 = arith.constant 0 : i32
    %dma_wait3A_183 = arith.constant 0 : i32
    %dma_wait3A_184 = tpu.memref_slice %arg6[%dma_wait3A_170, %dma_wait3A_182, %dma_wait3A_183] : memref<2x400x128xf32, #tpu.memory_space<vmem>> -> memref<1x400x128xf32, #tpu.memory_space<vmem>>
    %dma_wait3A_185 = tpu.memref_squeeze %dma_wait3A_184 : memref<1x400x128xf32, #tpu.memory_space<vmem>> -> memref<400x128xf32, #tpu.memory_space<vmem>>
    tpu.wait_dma2 semaphore(%dma_wait3A_179 : memref<!tpu.dma_semaphore, #tpu.memory_space<semaphore_mem>>) src(%dma_wait3A_185 : memref<400x128xf32, #tpu.memory_space<vmem>>) dst(%dma_wait3A_181 : memref<400x128xf32, #tpu.memory_space<hbm>>)
    return
  }
}

</mosaic_0001>

<sc_bundles>
// kernel: kernel.3.cloned.1.call-start
scs
__scs_entry_jumppad:
0x0: {  	(pc) =	sbr.rel $0x88, $3  }
0x1: {  	(tag) =	ssettag $0x0;
	lr =	simm.s32 $0x1  }
0x2: {  	[smem:$0x3F9F] =	sst lr;
	_ =	strace $0xD0000000  }
0x3: {  	_ = 	snop  }
0x4: {  	_ = 	snop  }
0x5: {  	_ = 	snop  }
0x6: {  	_ = 	snop  }
0x7: {  	_ = 	snop  }
__scs_overlays_trampoline_lowered:
0x8: {  	[smem:$0x3FAE] =	sst s0  }
0x9: {  	[smem:$0x3FAF] =	sst s1  }
0xa: {  	[smem:$0x3FB0] =	sst s2  }
0xb: {  	[smem:$0x3FB1] =	sst s3  }
0xc: {  	[smem:$0x3FB2] =	sst s4  }
0xd: {  	[smem:$0x3FB3] =	sst s5  }
0xe: {  	[smem:$0x3FB4] =	sst s6  }
0xf: {  	[smem:$0x3FB5] =	sst s7  }
0x10: {  	[smem:$0x3FB6] =	sst s8  }
0x11: {  	[smem:$0x3FB7] =	sst s9;
	s0 =	simm.s32 @!p0 $0x0  }
0x12: {  	s1 =	sld [smem:$0x3F9D];
	s0 =	simm.s32 @p0 $0x1  }
0x13: {  	[smem:$0x3FB8] =	sst s0;
	s0 =	simm.s32 @!p1 $0x0  }
0x14: {  	s2 =	sld [smem:$0x3F9C];
	s0 =	simm.s32 @p1 $0x1  }
0x15: {  	[smem:$0x3FB9] =	sst s0;
	s0 =	simm.s32 @!p2 $0x0  }
0x16: {  	s3 =	sld [smem:$0x3FDB];
	s0 =	simm.s32 @p2 $0x1  }
0x17: {  	s4 =	simm.s32 $0x1BF5;
	[smem:$0x3FBB] =	sst s0  }
0x18: {  	s0 =	sld [smem:$0x3F9E];
	_ =	swait.ge [sflag:s4], $0x0  }
0x19: {  	s7 =	sld [smem:$0x3F9F]  }
0x1a: {  	s8 =	sadd.s32 $0xFFFFE003, lr  }
0x1b: {  	s9 =	sadd.s32 $0xFFFFFEF7, lr;
	s5 =	simm.s32 $0xFFFFFFFF;
	p2 =	slt.u32 s8, $0xFFFFF086  }
0x1c: {  	p1 =	slt.u32 s9, $0xF7A;
	s5 =	simm.s32 @!p2 $0x0  }
0x1d: {  	s5 =	simm.s32 @p1 $0x1;
	p0 =	seq.s32 s7, s2  }
0x1e: {  	s7 =	smul.u32 @!p0 $0xF7A, s2;
	p2 =	seq.s32 @!p0 s5, $0x0  }
0x1f: {  	s9 =	smul.u32 $0xF7A, s1;
	s8 =	simm.s32 @!p0 $0x1BF5;
	p2 =	por !p2, p0  }
0x20: {  	[sflag:s8] =	ssyncset.s32 @!p0 $0xFFFFF086;
	s6 =	sadd.s32 @!p0 s3, s7;
	s7 =	simm.s32 @!p0 $0x108  }
0x21: {  	s3 =	sadd.s32 s3, s9;
	s6 =	sadd.s32 @!p0 $0x88, s6;
	s7 =	simm.s32 @p2 $0x1082  }
0x22: {  	[simem:s7], [sflag:s8] =	dma.local @!p0 [hbm:s6], $0xF7A  }
0x23: {  	s9 =	sor.u32 $0xD0000000, s2;
	s6 =	simm.s32 $0x108;
	_ =	swait.ge @!p0 [sflag:s8], $0x0  }
0x24: {  	s3 =	sadd.s32 $0x88, s3;
	s6 =	simm.s32 @!p1 $0x1082;
	[sflag:s4] =	ssyncset.s32 $0xFFFFF086  }
0x25: {  	[simem:s6], [sflag:s4] =	dma.local [hbm:s3], $0xF7A  }
0x26: {  	[smem:$0x3F9F] =	sst s1;
	(tag) =	ssettag s2;
	_ =	strace s9  }
0x27: {  	s1 =	sld [smem:$0x3FAF]  }
0x28: {  	s2 =	sld [smem:$0x3FB0]  }
0x29: {  	s4 =	sld [smem:$0x3FB2]  }
0x2a: {  	p0 =	seq.s32 s5, $0x0;
	s5 =	sld [smem:$0x3FB3]  }
0x2b: {  	s6 =	sld [smem:$0x3FB4]  }
0x2c: {  	s7 =	sld [smem:$0x3FB5]  }
0x2d: {  	s3 =	simm.s32 $0x108;
	s8 =	sld [smem:$0x3FB6]  }
0x2e: {  	s3 =	simm.s32 @!p0 $0x1082;
	s9 =	sld [smem:$0x3FB7]  }
0x2f: {  	lr =	sadd.s32 s0, s3;
	s0 =	sld [smem:$0x3FAE]  }
0x30: {  	s3 =	sld [smem:$0x3FB1]  }
0x31: {  	[smem:$0x3FBA] =	sst s10  }
0x32: {  	s10 =	sld [smem:$0x3FB8];
	_ =	sdelay $0x3  }
0x33: {  	p0 =	seq.s32 s10, $0x1;
	s10 =	sld [smem:$0x3FBA];
	_ =	sdelay $0x3  }
0x34: {  	[smem:$0x3FBA] =	sst s10  }
0x35: {  	s10 =	sld [smem:$0x3FB9];
	_ =	sdelay $0x3  }
0x36: {  	p1 =	seq.s32 s10, $0x1;
	s10 =	sld [smem:$0x3FBA];
	_ =	sdelay $0x3  }
0x37: {  	[smem:$0x3FBA] =	sst s10  }
0x38: {  	s10 =	sld [smem:$0x3FBB]  }
0x39: {  	_ = 	snop;
	(pc) =	sbr.ind lr, $3  }
0x3a: {  	_ = 	snop  }
0x3b: {  	_ = 	snop  }
0x3c: {  	p2 =	seq.s32 s10, $0x1;
	s10 =	sld [smem:$0x3FBA]  }
0x3d: {  	_ =	shalt  }
0x3e: {  	_ =	shalt  }
0x3f: {  	_ =	shalt  }
0x40: {  	_ =	shalt  }
0x41: {  	_ =	shalt  }
0x42: {  	_ =	shalt  }
0x43: {  	_ =	shalt  }
0x44: {  	_ =	shalt  }
0x45: {  	_ =	shalt  }
0x46: {  	_ =	shalt  }
0x47: {  	_ =	shalt  }
0x48: {  	_ =	shalt  }
0x49: {  	_ =	shalt  }
0x4a: {  	_ =	shalt  }
0x4b: {  	_ =	shalt  }
0x4c: {  	_ =	shalt  }
0x4d: {  	_ =	shalt  }
0x4e: {  	_ =	shalt  }
0x4f: {  	_ =	shalt  }
0x50: {  	_ =	shalt  }
0x51: {  	_ =	shalt  }
0x52: {  	_ =	shalt  }
0x53: {  	_ =	shalt  }
0x54: {  	_ =	shalt  }
0x55: {  	_ =	shalt  }
0x56: {  	_ =	shalt  }
0x57: {  	_ =	shalt  }
0x58: {  	_ =	shalt  }
0x59: {  	_ =	shalt  }
0x5a: {  	_ =	shalt  }
0x5b: {  	_ =	shalt  }
0x5c: {  	_ =	shalt  }
0x5d: {  	_ =	shalt  }
0x5e: {  	_ =	shalt  }
0x5f: {  	_ =	shalt  }
0x60: {  	_ =	shalt  }
0x61: {  	_ =	shalt  }
0x62: {  	_ =	shalt  }
0x63: {  	_ =	shalt  }
0x64: {  	_ =	shalt  }
0x65: {  	_ =	shalt  }
0x66: {  	_ =	shalt  }
0x67: {  	_ =	shalt  }
0x68: {  	_ =	shalt  }
0x69: {  	_ =	shalt  }
0x6a: {  	_ =	shalt  }
0x6b: {  	_ =	shalt  }
0x6c: {  	_ =	shalt  }
0x6d: {  	_ =	shalt  }
0x6e: {  	_ =	shalt  }
0x6f: {  	_ =	shalt  }
0x70: {  	_ =	shalt  }
0x71: {  	_ =	shalt  }
0x72: {  	_ =	shalt  }
0x73: {  	_ =	shalt  }
0x74: {  	_ =	shalt  }
0x75: {  	_ =	shalt  }
0x76: {  	_ =	shalt  }
0x77: {  	_ =	shalt  }
0x78: {  	_ =	shalt  }
0x79: {  	_ =	shalt  }
0x7a: {  	_ =	shalt  }
0x7b: {  	_ =	shalt  }
0x7c: {  	_ =	shalt  }
0x7d: {  	_ =	shalt  }
0x7e: {  	_ =	shalt  }
0x7f: {  	_ =	shalt  }
0x80: {  	_ =	shalt  }
0x81: {  	_ =	shalt  }
0x82: {  	_ =	shalt  }
0x83: {  	_ =	shalt  }
0x84: {  	_ =	shalt  }
0x85: {  	_ =	shalt  }
0x86: {  	_ =	shalt  }
0x87: {  	_ =	shalt  }
.Lfunc_end0:
.L_simem_size_0:
called_computation_lowered:
.L_overlay_start_0:
0x88: {  	s2 =	sld [smem:$0x3FD9]  }
0x89: {  	s3 =	sld [smem:$0x3FFE];
	_ =	sdelay $0x1  }
0x8a: {  	s1 =	srdreg.scid  }
0x8b: {  	s0 =	sand.u32 $0x1, s1  }
0x8c: {  	s17 =	sshll.u32 s0, $0xA;
	s2 =	sadd.s32 s3, s2  }
0x8d: {  	s2 =	sadd.s32 s2, s17  }
0x8e: {  	[smem:$0x3FC6] =	sst s2  }
0x8f: {  	_ = 	snop  }
0x90: {  	s2 =	sld [smem:$0x3FC8]  }
0x91: {  	s18 =	sld [smem:$0x3FD0];
	(tm) =	ssettm $0x1  }
0x92: {  	s4 =	sld [smem:$0x3FFB];
	_ =	sdelay $0x3  }
0x93: {  	_ =	strace s4  }
0x94: {  	s4 =	sld [smem:$0x3FFC];
	_ =	sdelay $0x3  }
0x95: {  	_ =	strace s4  }
0x96: {  	s4 =	sld [smem:$0x3FFD];
	_ =	sdelay $0x3  }
0x97: {  	_ =	strace s4  }
0x98: {  	_ =	strace $0x8FFFFFFF  }
0x99: {  	s19 =	sld [smem:$0x3FDB];
	_ =	sdelay $0x1  }
0x9a: {  	s5 =	simm.s32 $_scs_section_size  }
0x9b: {  	s6 =	simm.s32 $_size__tile_overlayer_lowered;
	s7 =	simm.s32 $_tile_overlayer_lowered  }
0x9c: {  	s22 =	simm.s32 $0x1BFF;
	s21 =	sshll.u32 s7, $0x1;
	s4 =	sadd.s32 s5, s19  }
0x9d: {  	s8 =	simm.s32 $0x0;
	s20 =	sshll.u32 s6, $0x1;
	s6 =	sadd.s32 s21, s4  }
0x9e: {  	[timem:s8], [sflag:s22] =	dma.local [hbm:s6], s20  }
0x9f: {  	_ =	swait.ge [sflag:s22], s20  }
0xa0: {  	s5 =	ssub.s32 $0x0, s20;
	[sflag:s22] =	ssyncset.done $0x0  }
0xa1: {  	[sflag:s22] =	ssyncadd.s32 s5;
	_ =	sdelay $0x1  }
0xa2: {  	s23 =	simm.s32 $0x1B8B  }
0xa3: {  	_ =	swait.ge [sflag:s23], $0x1  }
0xa4: {  	[sflag:s23] =	ssyncset.done $0x0  }
0xa5: {  	s25 =	simm.s32 $0x1B8E;
	s24 =	sld [smem:$0x3FFE];
	[sflag:s23] =	ssyncadd.s32 $0xFFFFFFFF  }
0xa6: {  	s26 =	simm.s32 $execute0_lowered;
	[smem:$0x3FD2] =	sst s25  }
0xa7: {  	s6 =	sshll.u32 s26, $0x1;
	_ =	strace $0x80000046;
	[dreg:$0x1] =	wrdreg $0xFFFFFFFF  }
0xa8: {  	s28 =	simm.s32 $_size_execute0_lowered;
	s4 =	sadd.s32 s4, s6;
	[dreg:$0x0] =	wrdreg $0x0  }
0xa9: {  	s6 =	sshll.u32 s28, $0x1;
	[dreg:$0x2] =	wrdreg s4  }
0xaa: {  	[dreg:$0x3] =	wrdreg s6  }
0xab: {  	[dreg:$0x4] =	wrdreg $0xC0  }
0xac: {  	_ =	task [dreg:s8], $0x5FFFF  }
0xad: {  	[dreg:$0x1] =	wrdreg $0xFFFFFFFF  }
0xae: {  	[dreg:$0x0] =	wrdreg $0x60  }
0xaf: {  	[dreg:$0x2] =	wrdreg s24  }
0xb0: {  	[dreg:$0x3] =	wrdreg s2  }
0xb1: {  	[dreg:$0x4] =	wrdreg s18  }
0xb2: {  	[dreg:$0x5] =	wrdreg $0x9  }
0xb3: {  	_ =	task.clear_ibuf [dreg:s8], $0x6FFFF;
	_ =	strace $0x90000046  }
0xb4: {  	s29 =	simm.s32 $0x9;
	_ =	strace $0x80000048  }
0xb5: {  	_ =	swait.ge [sflag:s29], $0x1  }
0xb6: {  	[sflag:s29] =	ssyncadd.s32 $0xFFFFFFFF  }
0xb7: {  	_ =	strace $0x90000048  }
0xb8: {  	_ =	sfence  }
0xb9: {  	s30 =	sld [smem:$0x0];
	_ =	sdelay $0x2  }
0xba: {  	s31 =	sshll.u32 s1, $0xD;
	s1 =	sshrl.u32 s1, $0x2  }
0xbb: {  	s3 =	sand.u32 $0x4000, s31;
	s1 =	sadd.s32 s1, s30  }
0xbc: {  	s0 =	sor.u32 s3, s0;
	s1 =	sshll.u32 s1, $0x11  }
0xbd: {  	s0 =	sor.u32 s1, s0  }
0xbe: {  	s0 =	sadd.s32 $0x8F2B, s0  }
0xbf: {  	[sflag:s0] =	ssyncadd.remote.s32 $0x1  }
0xc0: {  	_ =	sfence.sel $0xFFFF  }
0xc1: {  	[dreg:$0x0] =	wrdreg $0xFFFFFFFF;
	(pc) =	sbr.abs _section_cstart, $3  }
0xc2: {  	[dreg:$0x1] =	wrdreg $0xFFFFFFFF  }
0xc3: {  	_ =	task.clear_ibuf [dreg:s8], $0x2FFFF;
	_ =	strace $0x9FFFFFFF  }
0xc4: {  	(tm) =	ssettm $0x7FFFFFFF  }
0xc5: {  	_ =	shalt  }
tec
execute0_lowered:
.L_overlay_start_1:
0x0: {  	(tag) =	ssettag $0x1  }
0x1: {  	s4 =	rddreg [dreg:$0x0];
	s1 =	srdreg.scid  }
0x2: {  	s0 =	stileid.u32;
	s2 =	rddreg [dreg:$0x1]  }
0x3: {  	s6 =	rddreg [dreg:$0x2];
	s3 =	simm.s32 $0x0;
	s13 =	simm.s32 $0x190  }
0x4: {  	s14 =	simm.s32 $0xE100;
	s15 =	simm.s32 $0x258;
	s16 =	simm.s32 $0x14500  }
0x5: {  	s17 =	simm.s32 $0x1;
	s18 =	simm.s32 $0x2;
	s19 =	simm.s32 $0x5  }
0x6: {  	s20 =	simm.s32 $0x3;
	s21 =	simm.s32 $0x4;
	s22 =	simm.s32 $0x6  }
0x7: {  	s5 =	sand.u32 $0x1, s1;
	s26 =	sshll.u32 s0, $0x1;
	s12 =	smul.u32 $0x32000, s0  }
0x8: {  	s1 =	rddreg [dreg:$0x3];
	s7 =	sor.u32 s5, s26;
	s29 =	smul.u32 $0x19000, s5  }
0x9: {  	s23 =	simm.s32 $0x0;
	[smem:$0x7FF] =	sst s3;
	s8 =	smul.u32 $0x1900, s7  }
0xa: {  	_ =	strace $0x80000047;
	s10 =	ssub.s32 $0x2, s5;
	s9 =	smul.u32 $0x19000, s7  }
0xb: {  	s7 =	smul.u32 $0xC8000, s7;
	s11 =	sshrl.u32 s10, $0x1;
	s30 =	sadd.s32 s12, s6  }
0xc: {  	s12 =	simm.s32 $0x7D00;
	s28 =	ssub.s32 s10, s11;
	s31 =	sadd.s32 s29, s30  }
0xd: {  	s10 =	simm.s32 $0xC8;
	s11 =	simm.s32 $0x1900;
	s8 =	sshrl.u32 s8, $0x3  }
0xe: {  	s7 =	sshrl.u32 s7, $0x3;
	s5 =	sadd.s32 s6, s9;
	s9 =	simm.s32 $0x7  }
0xf: {  	s4 =	sadd.s32 s8, s4;
	s6 =	sadd.s32 s6, s7;
	s7 =	smax.u32 s28, $0x1  }
0x10: {  	s8 =	sadd.s32 $0x1900, s31;
	s4 =	sadd.s32 $0x400, s4;
	s6 =	sadd.s32 $0x17700, s6  }
.LBB2_1:
0x11: {  	[tilespmem:s3], [sflag:$0x7] =	stream.linear.gather [hbm4b:s4+s3], $0x1900, $0x38;
	[tilespmem:$0x1A900] =	vst v63  }
0x12: {  	_ =	swait.ge [sflag:s9], $0x1900  }
0x13: {  	[sflag:s9] =	ssyncset.done $0x0  }
0x14: {  	[sflag:s9] =	ssyncadd.s32 $0xFFFFE700  }
0x15: {  	[tilespmem:s11], [sflag:$0x1] =	stream.indirect.gather [hbm4b:s2+s10], $0x80, s3, s10, $0xb8;
	[tilespmem:$0x1A900] =	vst v63  }
0x16: {  	_ = 	snop  }
0x17: {  	[tilespmem:s12], [sflag:$0x2] =	stream.indirect.gather [hbm4b:s2+s10], $0x80, s10, s10, $0xb8;
	[tilespmem:$0x1A900] =	vst v63  }
0x18: {  	_ = 	snop  }
0x19: {  	[tilespmem:s14], [sflag:$0x3] =	stream.indirect.gather [hbm4b:s2+s10], $0x80, s13, s10, $0xb8;
	[tilespmem:$0x1A900] =	vst v63  }
0x1a: {  	_ = 	snop  }
0x1b: {  	[tilespmem:s16], [sflag:$0x4] =	stream.indirect.gather [hbm4b:s2+s10], $0x80, s15, s10, $0xb8;
	[tilespmem:$0x1A900] =	vst v63  }
0x1c: {  	_ =	swait.ge [sflag:s17], $0x6400  }
0x1d: {  	[sflag:s17] =	ssyncset.done $0x0  }
0x1e: {  	[sflag:s17] =	ssyncadd.s32 $0xFFFF9C00  }
0x1f: {  	_ =	swait.ge [sflag:s18], $0x6400  }
0x20: {  	[sflag:s18] =	ssyncset.done $0x0  }
0x21: {  	[sflag:s18] =	ssyncadd.s32 $0xFFFF9C00  }
0x22: {  	[hbm4b:s5+s3] =	stream.linear.scatter [tilespmem:s11], [sflag:$0x5], $0xC800, $0x38;
	[tilespmem:$0x1A900] =	vst v63  }
0x23: {  	_ =	swait.ge [sflag:s19], $0xC800  }
0x24: {  	[sflag:s19] =	ssyncset.done $0x0  }
0x25: {  	s24 =	simm.s32 $0x320;
	[sflag:s19] =	ssyncadd.s32 $0xFFFF3800  }
0x26: {  	[tilespmem:s11], [sflag:$0x1] =	stream.indirect.gather [hbm4b:s2+s10], $0x80, s24, s10, $0xb8;
	[tilespmem:$0x1A900] =	vst v63  }
0x27: {  	s29 =	simm.s32 $0x3E8  }
0x28: {  	[tilespmem:s12], [sflag:$0x2] =	stream.indirect.gather [hbm4b:s2+s10], $0x80, s29, s10, $0xb8;
	[tilespmem:$0x1A900] =	vst v63  }
0x29: {  	_ =	swait.ge [sflag:s20], $0x6400  }
0x2a: {  	[sflag:s20] =	ssyncset.done $0x0  }
0x2b: {  	[sflag:s20] =	ssyncadd.s32 $0xFFFF9C00  }
0x2c: {  	_ =	swait.ge [sflag:s21], $0x6400  }
0x2d: {  	[sflag:s21] =	ssyncset.done $0x0  }
0x2e: {  	[sflag:s21] =	ssyncadd.s32 $0xFFFF9C00  }
0x2f: {  	[hbm4b:s8+s3] =	stream.linear.scatter [tilespmem:s14], [sflag:$0x6], $0xC800, $0x38;
	[tilespmem:$0x1A900] =	vst v63  }
0x30: {  	_ =	swait.ge [sflag:s22], $0xC800  }
0x31: {  	[sflag:s22] =	ssyncset.done $0x0  }
0x32: {  	s30 =	simm.s32 $0x4B0;
	[sflag:s22] =	ssyncadd.s32 $0xFFFF3800  }
0x33: {  	[tilespmem:s14], [sflag:$0x3] =	stream.indirect.gather [hbm4b:s2+s10], $0x80, s30, s10, $0xb8;
	[tilespmem:$0x1A900] =	vst v63  }
0x34: {  	s31 =	simm.s32 $0x578  }
0x35: {  	[tilespmem:s16], [sflag:$0x4] =	stream.indirect.gather [hbm4b:s2+s10], $0x80, s31, s10, $0xb8;
	[tilespmem:$0x1A900] =	vst v63  }
0x36: {  	_ =	swait.ge [sflag:s17], $0x6400  }
0x37: {  	[sflag:s17] =	ssyncset.done $0x0  }
0x38: {  	[sflag:s17] =	ssyncadd.s32 $0xFFFF9C00  }
0x39: {  	_ =	swait.ge [sflag:s18], $0x6400  }
0x3a: {  	s26 =	sadd.s32 $0x1900, s8;
	[sflag:s18] =	ssyncset.done $0x0  }
0x3b: {  	s25 =	sadd.s32 $0x3200, s8;
	s24 =	simm.s32 $0xC80;
	[sflag:s18] =	ssyncadd.s32 $0xFFFF9C00  }
.LBB2_2:
0x3c: {  	[hbm4b:s26+s3] =	stream.linear.scatter [tilespmem:s11], [sflag:$0x5], $0xC800, $0x38;
	[tilespmem:$0x1A900] =	vst v63  }
0x3d: {  	s26 =	smov.u32 s24  }
0x3e: {  	p0 =	sne.s32 s24, $0x4B00;
	s24 =	sadd.s32 $0xC80, s24;
	_ =	swait.ge [sflag:s19], $0xC800  }
0x3f: {  	s26 =	sshra.s32 s26, $0x2;
	[sflag:s19] =	ssyncset.done $0x0  }
0x40: {  	s28 =	sadd.s32 $0x320, s26;
	[sflag:s19] =	ssyncadd.s32 $0xFFFF3800  }
0x41: {  	[tilespmem:s11], [sflag:$0x1] =	stream.indirect.gather [hbm4b:s2+s10], $0x80, s28, s10, $0xb8;
	[tilespmem:$0x1A900] =	vst v63  }
0x42: {  	s28 =	sadd.s32 $0x3E8, s26  }
0x43: {  	[tilespmem:s12], [sflag:$0x2] =	stream.indirect.gather [hbm4b:s2+s10], $0x80, s28, s10, $0xb8;
	[tilespmem:$0x1A900] =	vst v63  }
0x44: {  	_ =	swait.ge [sflag:s20], $0x6400  }
0x45: {  	[sflag:s20] =	ssyncset.done $0x0  }
0x46: {  	[sflag:s20] =	ssyncadd.s32 $0xFFFF9C00  }
0x47: {  	_ =	swait.ge [sflag:s21], $0x6400  }
0x48: {  	[sflag:s21] =	ssyncset.done $0x0  }
0x49: {  	[sflag:s21] =	ssyncadd.s32 $0xFFFF9C00  }
0x4a: {  	[hbm4b:s25+s3] =	stream.linear.scatter [tilespmem:s14], [sflag:$0x6], $0xC800, $0x38;
	[tilespmem:$0x1A900] =	vst v63  }
0x4b: {  	_ =	swait.ge [sflag:s22], $0xC800  }
0x4c: {  	[sflag:s22] =	ssyncset.done $0x0  }
0x4d: {  	s28 =	sadd.s32 $0x4B0, s26;
	[sflag:s22] =	ssyncadd.s32 $0xFFFF3800  }
0x4e: {  	[tilespmem:s14], [sflag:$0x3] =	stream.indirect.gather [hbm4b:s2+s10], $0x80, s28, s10, $0xb8;
	[tilespmem:$0x1A900] =	vst v63  }
0x4f: {  	s26 =	sadd.s32 $0x578, s26  }
0x50: {  	[tilespmem:s16], [sflag:$0x4] =	stream.indirect.gather [hbm4b:s2+s10], $0x80, s26, s10, $0xb8;
	[tilespmem:$0x1A900] =	vst v63  }
0x51: {  	_ =	swait.ge [sflag:s17], $0x6400  }
.Ltmp0:
0x52: {  	[sflag:s17] =	ssyncset.done $0x0;
	(pc) =	sbr.rel @p0 .LBB2_2-.Ltmp0, $4  }
0x53: {  	[sflag:s17] =	ssyncadd.s32 $0xFFFF9C00  }
0x54: {  	_ =	swait.ge [sflag:s18], $0x6400  }
0x55: {  	[sflag:s18] =	ssyncset.done $0x0  }
0x56: {  	s26 =	sadd.s32 $0x1900, s25;
	s25 =	sadd.s32 $0x3200, s25;
	[sflag:s18] =	ssyncadd.s32 $0xFFFF9C00  }
0x57: {  	[hbm4b:s26+s3] =	stream.linear.scatter [tilespmem:s11], [sflag:$0x5], $0xC800, $0x38;
	[tilespmem:$0x1A900] =	vst v63  }
0x58: {  	_ =	swait.ge [sflag:s20], $0x6400  }
0x59: {  	[sflag:s20] =	ssyncset.done $0x0  }
0x5a: {  	[sflag:s20] =	ssyncadd.s32 $0xFFFF9C00  }
0x5b: {  	_ =	swait.ge [sflag:s21], $0x6400  }
0x5c: {  	[sflag:s21] =	ssyncset.done $0x0  }
0x5d: {  	s23 =	sadd.s32 $0x1, s23;
	[sflag:s21] =	ssyncadd.s32 $0xFFFF9C00  }
0x5e: {  	[hbm4b:s6+s3] =	stream.linear.scatter [tilespmem:s14], [sflag:$0x6], $0xC800, $0x38;
	[tilespmem:$0x1A900] =	vst v63  }
0x5f: {  	p0 =	sne.s32 s23, s7;
	_ =	swait.ge [sflag:s19], $0xC800  }
.Ltmp1:
0x60: {  	[sflag:s19] =	ssyncset.done $0x0;
	(pc) =	sbr.rel @p0 .LBB2_1-.Ltmp1, $4  }
0x61: {  	[sflag:s19] =	ssyncadd.s32 $0xFFFF3800  }
0x62: {  	_ =	swait.ge [sflag:s22], $0xC800  }
0x63: {  	[sflag:s22] =	ssyncset.done $0x0  }
0x64: {  	[sflag:s22] =	ssyncadd.s32 $0xFFFF3800  }
0x65: {  	_ =	sfence.sel $0x180000  }
0x66: {  	[bflag:$0x0] =	sbarrier.arrive $0xFFFF  }
0x67: {  	p0 =	sne.s32 s0, $0x0;
	_ =	strace $0x90000047  }
0x68: {  	s0 =	sadd.s32 @!p0 $0x100000, s1;
	[bflag:$0x2] =	sbarrier.arrive $0xFFFF  }
0x69: {  	[sflag:s0] =	ssyncadd.tile.s32 @!p0 $0x1;
	_ =	shalt  }
.Lfunc_end2:
_tile_overlayer_lowered:
.L_overlay_start_2:
0x6a: {  	(tag) =	ssettag $0x2  }
0x6b: {  	s0 =	rddreg [dreg:$0x0];
	s2 =	stileid.u32  }
0x6c: {  	s1 =	rddreg [dreg:$0x1];
	p0 =	sne.s32 s2, $0x0  }
0x6d: {  	s3 =	rddreg [dreg:$0x2];
	[bflag:$0x3] =	sbarrier.arrive $0xFFFF;
	s2 =	simm.s32 @!p0 $0x1C07  }
0x6e: {  	[timem:s3], [sflag:s2] =	dma.local @!p0 [hbm:s0], s1  }
0x6f: {  	s0 =	simm.s32 @!p0 $0x7  }
0x70: {  	_ =	swait.ge @!p0 [sflag:s0], s1  }
0x71: {  	s1 =	ssub.s32 @!p0 $0x0, s1;
	[sflag:s0] =	ssyncset.done @!p0 $0x0  }
0x72: {  	[sflag:s0] =	ssyncadd.s32 @!p0 s1  }
0x73: {  	[bflag:$0x3] =	sbarrier.arrive $0xFFFF  }
0x74: {  	_ =	shalt  }

</sc_bundles>
